<compile_context>
chip_gen: v7x
topology: tpu7x:2x2x1
jax: 0.10.2.dev20260603
libtpu: 0.0.44.dev20260713+nightly
codegen_flags: <defaults>
</compile_context>

<pallas_src>
import functools

import jax
import jax.numpy as jnp
from jax import lax
from jax.experimental import pallas as pl
from jax.experimental.pallas import tpu as pltpu
from jax.experimental.pallas import tpu_sc as plsc

_EPS = 1e-12


def _make_sc_gather(vocab, d, n_tokens, chunk):
  info = plsc.get_sparse_core_info()
  nc, ns = info.num_cores, info.num_subcores
  nw = nc * ns
  per_w = n_tokens // nw
  n_chunks = per_w // chunk
  assert per_w % chunk == 0 and n_tokens % nw == 0

  mesh = plsc.VectorSubcoreMesh(core_axis_name="c", subcore_axis_name="s")

  @functools.partial(
      pl.kernel,
      mesh=mesh,
      out_type=jax.ShapeDtypeStruct((n_tokens, d), jnp.float32),
      scratch_types=[
          pltpu.VMEM((chunk,), jnp.int32),
          pltpu.VMEM((chunk, d), jnp.float32),
          pltpu.SemaphoreType.DMA,
      ],
  )
  def gather_kernel(table_hbm, idx_hbm, out_hbm, idx_v, rows_v, sem):
    wid = lax.axis_index("s") * nc + lax.axis_index("c")

    def body(g, carry):
      base = wid * per_w + g * chunk
      pltpu.sync_copy(idx_hbm.at[pl.ds(base, chunk)], idx_v)
      pltpu.async_copy(table_hbm.at[idx_v], rows_v, sem).wait()
      pltpu.sync_copy(rows_v, out_hbm.at[pl.ds(base, chunk)])
      return carry

    lax.fori_loop(0, n_chunks, body, 0)

  return gather_kernel


def _ln_body(we_ref, seg_ref, pos_ref, t0_ref, t1_ref, g_ref, b_ref, out_ref):
  x = we_ref[...]
  seg = seg_ref[0][:, :1]
  dt = t1_ref[...] - t0_ref[...]
  x = x + pos_ref[...] + t0_ref[...] + seg * dt
  mean = jnp.mean(x, axis=1, keepdims=True)
  xc = x - mean
  var = jnp.mean(xc * xc, axis=1, keepdims=True)
  y = xc * lax.rsqrt(var + _EPS)
  out_ref[0] = y * g_ref[...] + b_ref[...]


def kernel(input_ids, segment_ids, word_emb, pos_emb, type_emb, gamma, beta):
  b, l = input_ids.shape
  vocab, d = word_emb.shape
  n = b * l

  idx = input_ids.reshape(n).astype(jnp.int32)
  we = _make_sc_gather(vocab, d, n, 128)(word_emb, idx)

  segb = jnp.broadcast_to(
      segment_ids.astype(jnp.float32).reshape(b, l, 1), (b, l, 128)
  )

  out = pl.pallas_call(
      _ln_body,
      grid=(b,),
      in_specs=[
          pl.BlockSpec((l, d), lambda i: (i, 0)),
          pl.BlockSpec((1, l, 128), lambda i: (i, 0, 0)),
          pl.BlockSpec((l, d), lambda i: (0, 0)),
          pl.BlockSpec((1, d), lambda i: (0, 0)),
          pl.BlockSpec((1, d), lambda i: (0, 0)),
          pl.BlockSpec((1, d), lambda i: (0, 0)),
          pl.BlockSpec((1, d), lambda i: (0, 0)),
      ],
      out_specs=pl.BlockSpec((1, l, d), lambda i: (i, 0, 0)),
      out_shape=jax.ShapeDtypeStruct((b, l, d), jnp.float32),
  )(
      we,
      segb,
      pos_emb,
      type_emb[0].reshape(1, d),
      type_emb[1].reshape(1, d),
      gamma.reshape(1, d),
      beta.reshape(1, d),
  )
  return out

# --- scband reference (transcript-rebuilt; emitter-appended) ---
"""Pipeline reference for scband-pytorch-embeddings-16475494547813 (READ-ONLY COPY).

The authoritative reference and input builder live on the scoring server;
editing this copy changes nothing except your own understanding.
"""

import jax, jax.numpy as jnp
import numpy as np

VOCAB = 30522
HID = 768
MAXPOS = 512
TYPES = 2
B = 256
L = 512
EPS = 1e-12

def setup_inputs(seed: int = 0) -> dict:
    key = jax.random.key(seed)
    k1, k2, k3, k4, k5 = jax.random.split(key, 5)
    input_ids = jax.random.randint(k1, (B, L), 0, VOCAB)
    segment_ids = jax.random.randint(k2, (B, L), 0, TYPES)
    word_emb = jax.random.normal(k3, (VOCAB, HID), dtype=jnp.float32) * 0.02
    pos_emb = jax.random.normal(k4, (MAXPOS, HID), dtype=jnp.float32) * 0.02
    type_emb = jax.random.normal(k5, (TYPES, HID), dtype=jnp.float32) * 0.02
    gamma = jnp.ones((HID,), dtype=jnp.float32)
    beta = jnp.zeros((HID,), dtype=jnp.float32)
    return {"input_ids": input_ids, "segment_ids": segment_ids, "word_emb": word_emb, "pos_emb": pos_emb, "type_emb": type_emb, "gamma": gamma, "beta": beta}

def reference(input_ids, segment_ids, word_emb, pos_emb, type_emb, gamma, beta):
    # BERT embeddings: word + position + token_type, then LayerNorm (eval mode: no dropout)
    seq_len = input_ids.shape[1]
    we = jnp.take(word_emb, input_ids, axis=0)
    te = jnp.take(type_emb, segment_ids, axis=0)
    pe = pos_emb[None, :seq_len, :]
    emb = we + te + pe
    mean = jnp.mean(emb, axis=-1, keepdims=True)
    var = jnp.mean((emb - mean) ** 2, axis=-1, keepdims=True)
    normed = (emb - mean) / jnp.sqrt(var + EPS)
    return normed * gamma + beta

if __name__ == "__main__":
    import jax
    _d = setup_inputs()
    print(jax.jit(kernel)(*tuple(_d.values())))

</pallas_src>

<mosaic_0001>
#map = affine_map<(d0, d1) -> (0, 0)>
#map1 = affine_map<(d0, d1) -> (0)>
module attributes {stable_mosaic.version = 14 : i64} {
  func.func @gather_kernel(%arg0: i32, %arg1: i32, %arg2: memref<30522x768xf32, #tpu.memory_space<hbm>>, %arg3: memref<131072xi32, #tpu.memory_space<hbm>>, %arg4: memref<131072x768xf32, #tpu.memory_space<hbm>>, %arg5: memref<128xi32, #tpu.memory_space<vmem>>, %arg6: memref<128x768xf32, #tpu.memory_space<vmem>>, %arg7: memref<!tpu.dma_semaphore, #tpu.memory_space<semaphore_mem>>) attributes {dimension_semantics = [#tpu.dimension_semantics<core_parallel>, #tpu.dimension_semantics<subcore_parallel>], iteration_bounds = array<i64: 2, 16>, scalar_prefetch = 0 : i64, scratch_operands = 3 : i64, tpu.core_type = #tpu.core_type<sc_vector_subcore>, window_params = [{transform_indices = #map}, {transform_indices = #map1}, {transform_indices = #map}]} {
    %mul3A = arith.constant 2 : i32
    %mul3A_0 = arith.muli %arg1, %mul3A : i32
    %add3A = arith.addi %mul3A_0, %arg0 : i32
    %scan3A = arith.constant 0 : i32
    %scan3A_1 = arith.constant 0 : i32
    %scan3A_2 = arith.constant 32 : i32
    %scan3A_3 = arith.addi %scan3A_1, %scan3A_2 : i32
    %scan3A_4 = arith.constant 1 : i32
    scf.for %scan3A_6 = %scan3A_1 to %scan3A_3 step %scan3A_4  : i32 {
      %mul3A_7 = arith.constant 4096 : i32
      %mul3A_8 = arith.muli %add3A, %mul3A_7 : i32
      %mul3A_9 = arith.constant 128 : i32
      %mul3A_10 = arith.muli %scan3A_6, %mul3A_9 : i32
      %add3A_11 = arith.addi %mul3A_8, %mul3A_10 : i32
      "tpu.region"() ({
        %run_scoped3A = tpu.sem_alloc : memref<!tpu.dma_semaphore, #tpu.memory_space<semaphore_mem>>
        %dma_start3A_16 = tpu.memref_slice %arg3[%add3A_11] : memref<131072xi32, #tpu.memory_space<hbm>> -> memref<128xi32, #tpu.memory_space<hbm>>
        %dma_start3A_17 = tpu.memref_slice %arg3[%add3A_11] : memref<131072xi32, #tpu.memory_space<hbm>> -> memref<128xi32, #tpu.memory_space<hbm>>
        tpu.enqueue_dma source(%dma_start3A_17 : memref<128xi32, #tpu.memory_space<hbm>>) target(%arg5 : memref<128xi32, #tpu.memory_space<vmem>>) target_semaphore(%run_scoped3A : memref<!tpu.dma_semaphore, #tpu.memory_space<semaphore_mem>>)
        %dma_wait3A_18 = tpu.memref_slice %arg3[%add3A_11] : memref<131072xi32, #tpu.memory_space<hbm>> -> memref<128xi32, #tpu.memory_space<hbm>>
        %dma_wait3A_19 = tpu.memref_slice %arg3[%add3A_11] : memref<131072xi32, #tpu.memory_space<hbm>> -> memref<128xi32, #tpu.memory_space<hbm>>
        tpu.wait_dma2 semaphore(%run_scoped3A : memref<!tpu.dma_semaphore, #tpu.memory_space<semaphore_mem>>) src(%dma_wait3A_19 : memref<128xi32, #tpu.memory_space<hbm>>) dst(%arg5 : memref<128xi32, #tpu.memory_space<vmem>>)
        tpu.yield
      }) : () -> ()
      %dma_start3A = arith.constant 0 : i32
      %dma_start3A_12 = arith.constant 0 : i32
      %dma_start3A_13 = tpu.memref_slice %arg2[%dma_start3A, %dma_start3A_12] : memref<30522x768xf32, #tpu.memory_space<hbm>> -> memref<30522x768xf32, #tpu.memory_space<hbm>>
      tpu.enqueue_indirect_dma source(%dma_start3A_13 : memref<30522x768xf32, #tpu.memory_space<hbm>>) target(%arg6 : memref<128x768xf32, #tpu.memory_space<vmem>>) offsets(%arg5 : memref<128xi32, #tpu.memory_space<vmem>>) semaphore(%arg7 : memref<!tpu.dma_semaphore, #tpu.memory_space<semaphore_mem>>)
      %dma_wait3A = arith.constant 0 : i32
      %dma_wait3A_14 = arith.constant 0 : i32
      %dma_wait3A_15 = tpu.memref_slice %arg2[%dma_wait3A, %dma_wait3A_14] : memref<30522x768xf32, #tpu.memory_space<hbm>> -> memref<30522x768xf32, #tpu.memory_space<hbm>>
      tpu.wait_indirect_dma semaphore(%arg7 : memref<!tpu.dma_semaphore, #tpu.memory_space<semaphore_mem>>) src(%dma_wait3A_15 : memref<30522x768xf32, #tpu.memory_space<hbm>>) dst(%arg6 : memref<128x768xf32, #tpu.memory_space<vmem>>)
      "tpu.region"() ({
        %run_scoped3A = tpu.sem_alloc : memref<!tpu.dma_semaphore, #tpu.memory_space<semaphore_mem>>
        %dma_start3A_16 = arith.constant 0 : i32
        %dma_start3A_17 = tpu.memref_slice %arg4[%add3A_11, %dma_start3A_16] : memref<131072x768xf32, #tpu.memory_space<hbm>> -> memref<128x768xf32, #tpu.memory_space<hbm>>
        %dma_start3A_18 = arith.constant 0 : i32
        %dma_start3A_19 = tpu.memref_slice %arg4[%add3A_11, %dma_start3A_18] : memref<131072x768xf32, #tpu.memory_space<hbm>> -> memref<128x768xf32, #tpu.memory_space<hbm>>
        tpu.enqueue_dma source(%arg6 : memref<128x768xf32, #tpu.memory_space<vmem>>) target(%dma_start3A_19 : memref<128x768xf32, #tpu.memory_space<hbm>>) target_semaphore(%run_scoped3A : memref<!tpu.dma_semaphore, #tpu.memory_space<semaphore_mem>>)
        %dma_wait3A_20 = arith.constant 0 : i32
        %dma_wait3A_21 = tpu.memref_slice %arg4[%add3A_11, %dma_wait3A_20] : memref<131072x768xf32, #tpu.memory_space<hbm>> -> memref<128x768xf32, #tpu.memory_space<hbm>>
        %dma_wait3A_22 = arith.constant 0 : i32
        %dma_wait3A_23 = tpu.memref_slice %arg4[%add3A_11, %dma_wait3A_22] : memref<131072x768xf32, #tpu.memory_space<hbm>> -> memref<128x768xf32, #tpu.memory_space<hbm>>
        tpu.wait_dma2 semaphore(%run_scoped3A : memref<!tpu.dma_semaphore, #tpu.memory_space<semaphore_mem>>) src(%arg6 : memref<128x768xf32, #tpu.memory_space<vmem>>) dst(%dma_wait3A_23 : memref<128x768xf32, #tpu.memory_space<hbm>>)
        tpu.yield
      }) : () -> ()
    }
    %scan3A_5 = arith.constant 32 : i32
    return
  }
}

module attributes {stable_mosaic.version = 14 : i64} {
  func.func @_ln_body(%arg0: i32, %arg1: memref<512x768xf32, #tpu.memory_space<vmem>>, %arg2: memref<1x512x128xf32, #tpu.memory_space<vmem>>, %arg3: memref<512x768xf32, #tpu.memory_space<vmem>>, %arg4: memref<1x768xf32, #tpu.memory_space<vmem>>, %arg5: memref<1x768xf32, #tpu.memory_space<vmem>>, %arg6: memref<1x768xf32, #tpu.memory_space<vmem>>, %arg7: memref<1x768xf32, #tpu.memory_space<vmem>>, %arg8: memref<1x512x768xf32, #tpu.memory_space<vmem>>) attributes {dimension_semantics = [#tpu.dimension_semantics<arbitrary>], iteration_bounds = array<i64: 256>, scalar_prefetch = 0 : i64, scratch_operands = 0 : i64, tpu.core_type = #tpu.core_type<tc>, window_params = [{transform_indices = @transform_0, window_bounds = array<i64: 512, 768>}, {transform_indices = @transform_1, window_bounds = array<i64: 1, 512, 128>}, {pipeline_mode = #tpu.pipeline_mode<synchronous>, transform_indices = @transform_2, window_bounds = array<i64: 512, 768>}, {pipeline_mode = #tpu.pipeline_mode<synchronous>, transform_indices = @transform_3, window_bounds = array<i64: 1, 768>}, {pipeline_mode = #tpu.pipeline_mode<synchronous>, transform_indices = @transform_4, window_bounds = array<i64: 1, 768>}, {pipeline_mode = #tpu.pipeline_mode<synchronous>, transform_indices = @transform_5, window_bounds = array<i64: 1, 768>}, {pipeline_mode = #tpu.pipeline_mode<synchronous>, transform_indices = @transform_6, window_bounds = array<i64: 1, 768>}, {transform_indices = @transform_7, window_bounds = array<i64: 1, 512, 768>}]} {
    %get3A = arith.constant 0 : index
    %get3A_0 = arith.constant 0 : index
    %get3A_1 = vector.load %arg1[%get3A, %get3A_0] : memref<512x768xf32, #tpu.memory_space<vmem>>, vector<512x768xf32>
    %get3A_2 = arith.constant 0 : index
    %get3A_3 = arith.constant 0 : index
    %get3A_4 = arith.constant 0 : index
    %get3A_5 = vector.load %arg2[%get3A_2, %get3A_3, %get3A_4] : memref<1x512x128xf32, #tpu.memory_space<vmem>>, vector<1x512x128xf32>
    %get3A_6 = vector.shape_cast %get3A_5 : vector<1x512x128xf32> to vector<512x128xf32>
    %slice3A = vector.extract_strided_slice %get3A_6 {offsets = [0, 0], sizes = [512, 1], strides = [1, 1]} : vector<512x128xf32> to vector<512x1xf32>
    %get3A_7 = arith.constant 0 : index
    %get3A_8 = arith.constant 0 : index
    %get3A_9 = vector.load %arg5[%get3A_7, %get3A_8] : memref<1x768xf32, #tpu.memory_space<vmem>>, vector<1x768xf32>
    %get3A_10 = arith.constant 0 : index
    %get3A_11 = arith.constant 0 : index
    %get3A_12 = vector.load %arg4[%get3A_10, %get3A_11] : memref<1x768xf32, #tpu.memory_space<vmem>>, vector<1x768xf32>
    %sub3A = arith.subf %get3A_9, %get3A_12 : vector<1x768xf32>
    %get3A_13 = arith.constant 0 : index
    %get3A_14 = arith.constant 0 : index
    %get3A_15 = vector.load %arg3[%get3A_13, %get3A_14] : memref<512x768xf32, #tpu.memory_space<vmem>>, vector<512x768xf32>
    %add3A = arith.addf %get3A_1, %get3A_15 : vector<512x768xf32>
    %get3A_16 = arith.constant 0 : index
    %get3A_17 = arith.constant 0 : index
    %get3A_18 = vector.load %arg4[%get3A_16, %get3A_17] : memref<1x768xf32, #tpu.memory_space<vmem>>, vector<1x768xf32>
    %add3A_19 = vector.broadcast %get3A_18 : vector<1x768xf32> to vector<512x768xf32>
    %add3A_20 = arith.addf %add3A, %add3A_19 : vector<512x768xf32>
    %mul3A = vector.broadcast %slice3A : vector<512x1xf32> to vector<512x768xf32>
    %mul3A_21 = vector.broadcast %sub3A : vector<1x768xf32> to vector<512x768xf32>
    %mul3A_22 = arith.mulf %mul3A, %mul3A_21 : vector<512x768xf32>
    %add3A_23 = arith.addf %add3A_20, %mul3A_22 : vector<512x768xf32>
    %reduce_sum3A = arith.constant dense<0.000000e+00> : vector<512xf32>
    %reduce_sum3A_24 = vector.multi_reduction <add>, %add3A_23, %reduce_sum3A [1] : vector<512x768xf32> to vector<512xf32>
    %broadcast_in_dim3A = vector.shape_cast %reduce_sum3A_24 : vector<512xf32> to vector<512x1xf32>
    %div3A = arith.constant 7.680000e+02 : f32
    %div3A_25 = vector.broadcast %div3A : f32 to vector<512x1xf32>
    %div3A_26 = arith.divf %broadcast_in_dim3A, %div3A_25 : vector<512x1xf32>
    %sub3A_27 = vector.broadcast %div3A_26 : vector<512x1xf32> to vector<512x768xf32>
    %sub3A_28 = arith.subf %add3A_23, %sub3A_27 : vector<512x768xf32>
    %mul3A_29 = arith.mulf %sub3A_28, %sub3A_28 : vector<512x768xf32>
    %reduce_sum3A_30 = arith.constant dense<0.000000e+00> : vector<512xf32>
    %reduce_sum3A_31 = vector.multi_reduction <add>, %mul3A_29, %reduce_sum3A_30 [1] : vector<512x768xf32> to vector<512xf32>
    %broadcast_in_dim3A_32 = vector.shape_cast %reduce_sum3A_31 : vector<512xf32> to vector<512x1xf32>
    %div3A_33 = arith.constant 7.680000e+02 : f32
    %div3A_34 = vector.broadcast %div3A_33 : f32 to vector<512x1xf32>
    %div3A_35 = arith.divf %broadcast_in_dim3A_32, %div3A_34 : vector<512x1xf32>
    %add3A_36 = arith.constant 9.99999996E-13 : f32
    %add3A_37 = vector.broadcast %add3A_36 : f32 to vector<512x1xf32>
    %add3A_38 = arith.addf %div3A_35, %add3A_37 : vector<512x1xf32>
    %rsqrt3A = math.rsqrt %add3A_38 : vector<512x1xf32>
    %mul3A_39 = vector.broadcast %rsqrt3A : vector<512x1xf32> to vector<512x768xf32>
    %mul3A_40 = arith.mulf %sub3A_28, %mul3A_39 : vector<512x768xf32>
    %get3A_41 = arith.constant 0 : index
    %get3A_42 = arith.constant 0 : index
    %get3A_43 = vector.load %arg6[%get3A_41, %get3A_42] : memref<1x768xf32, #tpu.memory_space<vmem>>, vector<1x768xf32>
    %mul3A_44 = vector.broadcast %get3A_43 : vector<1x768xf32> to vector<512x768xf32>
    %mul3A_45 = arith.mulf %mul3A_40, %mul3A_44 : vector<512x768xf32>
    %get3A_46 = arith.constant 0 : index
    %get3A_47 = arith.constant 0 : index
    %get3A_48 = vector.load %arg7[%get3A_46, %get3A_47] : memref<1x768xf32, #tpu.memory_space<vmem>>, vector<1x768xf32>
    %add3A_49 = vector.broadcast %get3A_48 : vector<1x768xf32> to vector<512x768xf32>
    %add3A_50 = arith.addf %mul3A_45, %add3A_49 : vector<512x768xf32>
    %swap3A = arith.constant 0 : index
    %swap3A_51 = arith.constant 0 : index
    %swap3A_52 = arith.constant 0 : index
    %swap3A_53 = vector.load %arg8[%swap3A, %swap3A_51, %swap3A_52] : memref<1x512x768xf32, #tpu.memory_space<vmem>>, vector<1x512x768xf32>
    %swap3A_54 = vector.shape_cast %swap3A_53 : vector<1x512x768xf32> to vector<512x768xf32>
    %swap3A_55 = vector.shape_cast %add3A_50 : vector<512x768xf32> to vector<1x512x768xf32>
    tpu.vector_store %arg8[%swap3A, %swap3A_51, %swap3A_52], %swap3A_55 {strides = array<i32>} : memref<1x512x768xf32, #tpu.memory_space<vmem>>, vector<1x512x768xf32>,
    return
  }
  func.func @transform_0(%arg0: i32) -> (i32, i32) {
    %c0_i32 = arith.constant 0 : i32
    %c0_i32_0 = arith.constant 0 : i32
    return %arg0, %c0_i32 : i32, i32
  }
  func.func @transform_1(%arg0: i32) -> (i32, i32, i32) {
    %c0_i32 = arith.constant 0 : i32
    %c0_i32_0 = arith.constant 0 : i32
    %c0_i32_1 = arith.constant 0 : i32
    return %arg0, %c0_i32, %c0_i32_0 : i32, i32, i32
  }
  func.func @transform_2(%arg0: i32) -> (i32, i32) {
    %c0_i32 = arith.constant 0 : i32
    %c0_i32_0 = arith.constant 0 : i32
    %c0_i32_1 = arith.constant 0 : i32
    return %c0_i32, %c0_i32_0 : i32, i32
  }
  func.func @transform_3(%arg0: i32) -> (i32, i32) {
    %c0_i32 = arith.constant 0 : i32
    %c0_i32_0 = arith.constant 0 : i32
    %c0_i32_1 = arith.constant 0 : i32
    return %c0_i32, %c0_i32_0 : i32, i32
  }
  func.func @transform_4(%arg0: i32) -> (i32, i32) {
    %c0_i32 = arith.constant 0 : i32
    %c0_i32_0 = arith.constant 0 : i32
    %c0_i32_1 = arith.constant 0 : i32
    return %c0_i32, %c0_i32_0 : i32, i32
  }
  func.func @transform_5(%arg0: i32) -> (i32, i32) {
    %c0_i32 = arith.constant 0 : i32
    %c0_i32_0 = arith.constant 0 : i32
    %c0_i32_1 = arith.constant 0 : i32
    return %c0_i32, %c0_i32_0 : i32, i32
  }
  func.func @transform_6(%arg0: i32) -> (i32, i32) {
    %c0_i32 = arith.constant 0 : i32
    %c0_i32_0 = arith.constant 0 : i32
    %c0_i32_1 = arith.constant 0 : i32
    return %c0_i32, %c0_i32_0 : i32, i32
  }
  func.func @transform_7(%arg0: i32) -> (i32, i32, i32) {
    %c0_i32 = arith.constant 0 : i32
    %c0_i32_0 = arith.constant 0 : i32
    %c0_i32_1 = arith.constant 0 : i32
    return %arg0, %c0_i32, %c0_i32_0 : i32, i32, i32
  }
}

</mosaic_0001>

<sc_bundles>
// kernel: kernel.4.cloned.1.call-start
scs
__scs_entry_jumppad:
0x0: {  	(pc) =	sbr.rel $0x88, $3  }
0x1: {  	(tag) =	ssettag $0x0;
	lr =	simm.s32 $0x1  }
0x2: {  	[smem:$0x3F9A] =	sst lr;
	_ =	strace $0xD0000000  }
0x3: {  	_ = 	snop  }
0x4: {  	_ = 	snop  }
0x5: {  	_ = 	snop  }
0x6: {  	_ = 	snop  }
0x7: {  	_ = 	snop  }
__scs_overlays_trampoline_lowered:
0x8: {  	[smem:$0x3FA9] =	sst s0  }
0x9: {  	[smem:$0x3FAA] =	sst s1  }
0xa: {  	[smem:$0x3FAB] =	sst s2  }
0xb: {  	[smem:$0x3FAC] =	sst s3  }
0xc: {  	[smem:$0x3FAD] =	sst s4  }
0xd: {  	[smem:$0x3FAE] =	sst s5  }
0xe: {  	[smem:$0x3FAF] =	sst s6  }
0xf: {  	[smem:$0x3FB0] =	sst s7  }
0x10: {  	[smem:$0x3FB1] =	sst s8  }
0x11: {  	[smem:$0x3FB2] =	sst s9;
	s0 =	simm.s32 @!p0 $0x0  }
0x12: {  	s1 =	sld [smem:$0x3F98];
	s0 =	simm.s32 @p0 $0x1  }
0x13: {  	[smem:$0x3FB3] =	sst s0;
	s0 =	simm.s32 @!p1 $0x0  }
0x14: {  	s2 =	sld [smem:$0x3F97];
	s0 =	simm.s32 @p1 $0x1  }
0x15: {  	[smem:$0x3FB4] =	sst s0;
	s0 =	simm.s32 @!p2 $0x0  }
0x16: {  	s3 =	sld [smem:$0x3FDB];
	s0 =	simm.s32 @p2 $0x1  }
0x17: {  	s4 =	simm.s32 $0x1BF5;
	[smem:$0x3FB6] =	sst s0  }
0x18: {  	s0 =	sld [smem:$0x3F99];
	_ =	swait.ge [sflag:s4], $0x0  }
0x19: {  	s7 =	sld [smem:$0x3F9A]  }
0x1a: {  	s8 =	sadd.s32 $0xFFFFE003, lr  }
0x1b: {  	s9 =	sadd.s32 $0xFFFFFEF7, lr;
	s5 =	simm.s32 $0xFFFFFFFF;
	p2 =	slt.u32 s8, $0xFFFFF086  }
0x1c: {  	p1 =	slt.u32 s9, $0xF7A;
	s5 =	simm.s32 @!p2 $0x0  }
0x1d: {  	s5 =	simm.s32 @p1 $0x1;
	p0 =	seq.s32 s7, s2  }
0x1e: {  	s7 =	smul.u32 @!p0 $0xF7A, s2;
	p2 =	seq.s32 @!p0 s5, $0x0  }
0x1f: {  	s9 =	smul.u32 $0xF7A, s1;
	s8 =	simm.s32 @!p0 $0x1BF5;
	p2 =	por !p2, p0  }
0x20: {  	[sflag:s8] =	ssyncset.s32 @!p0 $0xFFFFF086;
	s6 =	sadd.s32 @!p0 s3, s7;
	s7 =	simm.s32 @!p0 $0x108  }
0x21: {  	s3 =	sadd.s32 s3, s9;
	s6 =	sadd.s32 @!p0 $0x88, s6;
	s7 =	simm.s32 @p2 $0x1082  }
0x22: {  	[simem:s7], [sflag:s8] =	dma.local @!p0 [hbm:s6], $0xF7A  }
0x23: {  	s9 =	sor.u32 $0xD0000000, s2;
	s6 =	simm.s32 $0x108;
	_ =	swait.ge @!p0 [sflag:s8], $0x0  }
0x24: {  	s3 =	sadd.s32 $0x88, s3;
	s6 =	simm.s32 @!p1 $0x1082;
	[sflag:s4] =	ssyncset.s32 $0xFFFFF086  }
0x25: {  	[simem:s6], [sflag:s4] =	dma.local [hbm:s3], $0xF7A  }
0x26: {  	[smem:$0x3F9A] =	sst s1;
	(tag) =	ssettag s2;
	_ =	strace s9  }
0x27: {  	s1 =	sld [smem:$0x3FAA]  }
0x28: {  	s2 =	sld [smem:$0x3FAB]  }
0x29: {  	s4 =	sld [smem:$0x3FAD]  }
0x2a: {  	p0 =	seq.s32 s5, $0x0;
	s5 =	sld [smem:$0x3FAE]  }
0x2b: {  	s6 =	sld [smem:$0x3FAF]  }
0x2c: {  	s7 =	sld [smem:$0x3FB0]  }
0x2d: {  	s3 =	simm.s32 $0x108;
	s8 =	sld [smem:$0x3FB1]  }
0x2e: {  	s3 =	simm.s32 @!p0 $0x1082;
	s9 =	sld [smem:$0x3FB2]  }
0x2f: {  	lr =	sadd.s32 s0, s3;
	s0 =	sld [smem:$0x3FA9]  }
0x30: {  	s3 =	sld [smem:$0x3FAC]  }
0x31: {  	[smem:$0x3FB5] =	sst s10  }
0x32: {  	s10 =	sld [smem:$0x3FB3];
	_ =	sdelay $0x3  }
0x33: {  	p0 =	seq.s32 s10, $0x1;
	s10 =	sld [smem:$0x3FB5];
	_ =	sdelay $0x3  }
0x34: {  	[smem:$0x3FB5] =	sst s10  }
0x35: {  	s10 =	sld [smem:$0x3FB4];
	_ =	sdelay $0x3  }
0x36: {  	p1 =	seq.s32 s10, $0x1;
	s10 =	sld [smem:$0x3FB5];
	_ =	sdelay $0x3  }
0x37: {  	[smem:$0x3FB5] =	sst s10  }
0x38: {  	s10 =	sld [smem:$0x3FB6]  }
0x39: {  	_ = 	snop;
	(pc) =	sbr.ind lr, $3  }
0x3a: {  	_ = 	snop  }
0x3b: {  	_ = 	snop  }
0x3c: {  	p2 =	seq.s32 s10, $0x1;
	s10 =	sld [smem:$0x3FB5]  }
0x3d: {  	_ =	shalt  }
0x3e: {  	_ =	shalt  }
0x3f: {  	_ =	shalt  }
0x40: {  	_ =	shalt  }
0x41: {  	_ =	shalt  }
0x42: {  	_ =	shalt  }
0x43: {  	_ =	shalt  }
0x44: {  	_ =	shalt  }
0x45: {  	_ =	shalt  }
0x46: {  	_ =	shalt  }
0x47: {  	_ =	shalt  }
0x48: {  	_ =	shalt  }
0x49: {  	_ =	shalt  }
0x4a: {  	_ =	shalt  }
0x4b: {  	_ =	shalt  }
0x4c: {  	_ =	shalt  }
0x4d: {  	_ =	shalt  }
0x4e: {  	_ =	shalt  }
0x4f: {  	_ =	shalt  }
0x50: {  	_ =	shalt  }
0x51: {  	_ =	shalt  }
0x52: {  	_ =	shalt  }
0x53: {  	_ =	shalt  }
0x54: {  	_ =	shalt  }
0x55: {  	_ =	shalt  }
0x56: {  	_ =	shalt  }
0x57: {  	_ =	shalt  }
0x58: {  	_ =	shalt  }
0x59: {  	_ =	shalt  }
0x5a: {  	_ =	shalt  }
0x5b: {  	_ =	shalt  }
0x5c: {  	_ =	shalt  }
0x5d: {  	_ =	shalt  }
0x5e: {  	_ =	shalt  }
0x5f: {  	_ =	shalt  }
0x60: {  	_ =	shalt  }
0x61: {  	_ =	shalt  }
0x62: {  	_ =	shalt  }
0x63: {  	_ =	shalt  }
0x64: {  	_ =	shalt  }
0x65: {  	_ =	shalt  }
0x66: {  	_ =	shalt  }
0x67: {  	_ =	shalt  }
0x68: {  	_ =	shalt  }
0x69: {  	_ =	shalt  }
0x6a: {  	_ =	shalt  }
0x6b: {  	_ =	shalt  }
0x6c: {  	_ =	shalt  }
0x6d: {  	_ =	shalt  }
0x6e: {  	_ =	shalt  }
0x6f: {  	_ =	shalt  }
0x70: {  	_ =	shalt  }
0x71: {  	_ =	shalt  }
0x72: {  	_ =	shalt  }
0x73: {  	_ =	shalt  }
0x74: {  	_ =	shalt  }
0x75: {  	_ =	shalt  }
0x76: {  	_ =	shalt  }
0x77: {  	_ =	shalt  }
0x78: {  	_ =	shalt  }
0x79: {  	_ =	shalt  }
0x7a: {  	_ =	shalt  }
0x7b: {  	_ =	shalt  }
0x7c: {  	_ =	shalt  }
0x7d: {  	_ =	shalt  }
0x7e: {  	_ =	shalt  }
0x7f: {  	_ =	shalt  }
0x80: {  	_ =	shalt  }
0x81: {  	_ =	shalt  }
0x82: {  	_ =	shalt  }
0x83: {  	_ =	shalt  }
0x84: {  	_ =	shalt  }
0x85: {  	_ =	shalt  }
0x86: {  	_ =	shalt  }
0x87: {  	_ =	shalt  }
.Lfunc_end0:
.L_simem_size_0:
called_computation_lowered:
.L_overlay_start_0:
0x88: {  	s2 =	sld [smem:$0x3FD9]  }
0x89: {  	s3 =	sld [smem:$0x3FFE];
	_ =	sdelay $0x1  }
0x8a: {  	s1 =	srdreg.scid  }
0x8b: {  	s0 =	sand.u32 $0x1, s1  }
0x8c: {  	s17 =	sshll.u32 s0, $0xA;
	s2 =	sadd.s32 s3, s2  }
0x8d: {  	s2 =	sadd.s32 s2, s17  }
0x8e: {  	[smem:$0x3FC1] =	sst s2  }
0x8f: {  	_ = 	snop  }
0x90: {  	s2 =	sld [smem:$0x3FC7]  }
0x91: {  	s18 =	sld [smem:$0x3FD0];
	(tm) =	ssettm $0x1  }
0x92: {  	s4 =	sld [smem:$0x3FFB];
	_ =	sdelay $0x3  }
0x93: {  	_ =	strace s4  }
0x94: {  	s4 =	sld [smem:$0x3FFC];
	_ =	sdelay $0x3  }
0x95: {  	_ =	strace s4  }
0x96: {  	s4 =	sld [smem:$0x3FFD];
	_ =	sdelay $0x3  }
0x97: {  	_ =	strace s4  }
0x98: {  	_ =	strace $0x8FFFFFFF  }
0x99: {  	s19 =	sld [smem:$0x3FDB];
	_ =	sdelay $0x1  }
0x9a: {  	s5 =	simm.s32 $_scs_section_size  }
0x9b: {  	s6 =	simm.s32 $_size__tile_overlayer_lowered;
	s7 =	simm.s32 $_tile_overlayer_lowered  }
0x9c: {  	s22 =	simm.s32 $0x1BFF;
	s21 =	sshll.u32 s7, $0x1;
	s4 =	sadd.s32 s5, s19  }
0x9d: {  	s8 =	simm.s32 $0x0;
	s20 =	sshll.u32 s6, $0x1;
	s6 =	sadd.s32 s21, s4  }
0x9e: {  	[timem:s8], [sflag:s22] =	dma.local [hbm:s6], s20  }
0x9f: {  	_ =	swait.ge [sflag:s22], s20  }
0xa0: {  	s5 =	ssub.s32 $0x0, s20;
	[sflag:s22] =	ssyncset.done $0x0  }
0xa1: {  	[sflag:s22] =	ssyncadd.s32 s5;
	_ =	sdelay $0x1  }
0xa2: {  	s23 =	simm.s32 $0x1B8B  }
0xa3: {  	_ =	swait.ge [sflag:s23], $0x1  }
0xa4: {  	[sflag:s23] =	ssyncset.done $0x0  }
0xa5: {  	s25 =	simm.s32 $0x1B8E;
	s24 =	sld [smem:$0x3FFE];
	[sflag:s23] =	ssyncadd.s32 $0xFFFFFFFF  }
0xa6: {  	s26 =	simm.s32 $execute0_lowered;
	[smem:$0x3FD2] =	sst s25  }
0xa7: {  	s6 =	sshll.u32 s26, $0x1;
	_ =	strace $0x80000046;
	[dreg:$0x1] =	wrdreg $0xFFFFFFFF  }
0xa8: {  	s28 =	simm.s32 $_size_execute0_lowered;
	s4 =	sadd.s32 s4, s6;
	[dreg:$0x0] =	wrdreg $0x0  }
0xa9: {  	s6 =	sshll.u32 s28, $0x1;
	[dreg:$0x2] =	wrdreg s4  }
0xaa: {  	[dreg:$0x3] =	wrdreg s6  }
0xab: {  	[dreg:$0x4] =	wrdreg $0xC0  }
0xac: {  	_ =	task [dreg:s8], $0x5FFFF  }
0xad: {  	[dreg:$0x1] =	wrdreg $0xFFFFFFFF  }
0xae: {  	[dreg:$0x0] =	wrdreg $0x60  }
0xaf: {  	[dreg:$0x2] =	wrdreg s2  }
0xb0: {  	[dreg:$0x3] =	wrdreg s18  }
0xb1: {  	[dreg:$0x4] =	wrdreg s24  }
0xb2: {  	[dreg:$0x5] =	wrdreg $0x9  }
0xb3: {  	_ =	task.clear_ibuf [dreg:s8], $0x6FFFF;
	_ =	strace $0x90000046  }
0xb4: {  	s29 =	simm.s32 $0x9;
	_ =	strace $0x80000048  }
0xb5: {  	_ =	swait.ge [sflag:s29], $0x1  }
0xb6: {  	[sflag:s29] =	ssyncadd.s32 $0xFFFFFFFF  }
0xb7: {  	_ =	strace $0x90000048  }
0xb8: {  	_ =	sfence  }
0xb9: {  	s30 =	sld [smem:$0x0];
	_ =	sdelay $0x2  }
0xba: {  	s31 =	sshll.u32 s1, $0xD;
	s1 =	sshrl.u32 s1, $0x2  }
0xbb: {  	s3 =	sand.u32 $0x4000, s31;
	s1 =	sadd.s32 s1, s30  }
0xbc: {  	s0 =	sor.u32 s3, s0;
	s1 =	sshll.u32 s1, $0x11  }
0xbd: {  	s0 =	sor.u32 s1, s0  }
0xbe: {  	s0 =	sadd.s32 $0x8F2B, s0  }
0xbf: {  	[sflag:s0] =	ssyncadd.remote.s32 $0x1  }
0xc0: {  	_ =	sfence.sel $0xFFFF  }
0xc1: {  	[dreg:$0x0] =	wrdreg $0xFFFFFFFF;
	(pc) =	sbr.abs _section_cstart, $3  }
0xc2: {  	[dreg:$0x1] =	wrdreg $0xFFFFFFFF  }
0xc3: {  	_ =	task.clear_ibuf [dreg:s8], $0x2FFFF;
	_ =	strace $0x9FFFFFFF  }
0xc4: {  	(tm) =	ssettm $0x7FFFFFFF  }
0xc5: {  	_ =	shalt  }
tec
execute0_lowered:
.L_overlay_start_1:
0x0: {  	(tag) =	ssettag $0x1  }
0x1: {  	s2 =	rddreg [dreg:$0x0]  }
0x2: {  	s0 =	rddreg [dreg:$0x1]  }
0x3: {  	s1 =	rddreg [dreg:$0x2];
	s3 =	simm.s32 $0x0  }
0x4: {  	s14 =	simm.s32 $0x880;
	[smem:$0x7FF] =	sst s3  }
0x5: {  	s15 =	simm.s32 $0x1080;
	_ =	strace $0x80000047;
	[dreg:$0x5] =	wrdreg s14  }
0x6: {  	s16 =	simm.s32 $0x1880;
	[dreg:$0x6] =	wrdreg s15  }
0x7: {  	s17 =	simm.s32 $0x2080;
	[dreg:$0x7] =	wrdreg s16  }
0x8: {  	s18 =	simm.s32 $0x2880;
	[dreg:$0x8] =	wrdreg s17  }
0x9: {  	s19 =	simm.s32 $0x3080;
	[dreg:$0x9] =	wrdreg s18  }
0xa: {  	s20 =	simm.s32 $0x3880;
	[dreg:$0xa] =	wrdreg s19  }
0xb: {  	s7 =	stileid.u32;
	s21 =	simm.s32 $0x4080;
	[dreg:$0xb] =	wrdreg s20  }
0xc: {  	s4 =	srdreg.scid;
	s22 =	simm.s32 $0x4880;
	[dreg:$0xc] =	wrdreg s21  }
0xd: {  	s23 =	simm.s32 $0x5080;
	s24 =	simm.s32 $0x5880;
	[dreg:$0xd] =	wrdreg s22  }
0xe: {  	s25 =	simm.s32 $0x6080;
	s26 =	simm.s32 $0x6880;
	[dreg:$0xe] =	wrdreg s23  }
0xf: {  	s8 =	simm.s32 $0x8080;
	s10 =	simm.s32 $0x8880;
	[dreg:$0xf] =	wrdreg s24  }
0x10: {  	s11 =	simm.s32 $0x9080;
	s12 =	simm.s32 $0x9880;
	[dreg:$0x10] =	wrdreg s25  }
0x11: {  	s6 =	sand.u32 $0x1, s4;
	s4 =	simm.s32 $0x7080;
	[dreg:$0x11] =	wrdreg s26  }
0x12: {  	s28 =	simm.s32 $0x17080;
	s29 =	simm.s32 $0x17880;
	[dreg:$0x12] =	wrdreg s4  }
0x13: {  	s30 =	simm.s32 $0x1;
	s31 =	simm.s32 $0x0;
	[dreg:$0x14] =	wrdreg s8  }
0x14: {  	s13 =	sshll.u32 s7, $0xA;
	s9 =	smul.u32 $0xC0000, s7;
	[dreg:$0x15] =	wrdreg s10  }
0x15: {  	s5 =	sshll.u32 s6, $0x9;
	s0 =	sadd.s32 s13, s0;
	[dreg:$0x16] =	wrdreg s11  }
0x16: {  	s13 =	ssub.s32 $0x2, s6;
	[dreg:$0x17] =	wrdreg s12;
	s14 =	simm.s32 $0xA080  }
0x17: {  	s16 =	simm.s32 $0xA880;
	s18 =	simm.s32 $0xB080;
	[dreg:$0x18] =	wrdreg s14  }
0x18: {  	s4 =	sadd.s32 $0x100, s2;
	s19 =	simm.s32 $0xB880;
	[dreg:$0x19] =	wrdreg s16  }
0x19: {  	s20 =	simm.s32 $0xC080;
	s8 =	smul.u32 $0x60000, s6;
	[dreg:$0x1a] =	wrdreg s18  }
0x1a: {  	s21 =	simm.s32 $0xC880;
	s23 =	simm.s32 $0xD080;
	[dreg:$0x1b] =	wrdreg s19  }
0x1b: {  	s24 =	simm.s32 $0xD880;
	s26 =	simm.s32 $0xE080;
	[dreg:$0x1c] =	wrdreg s20  }
0x1c: {  	s10 =	simm.s32 $0xE880;
	s11 =	simm.s32 $0xF080;
	[dreg:$0x1d] =	wrdreg s21  }
0x1d: {  	s12 =	simm.s32 $0xF880;
	s0 =	sadd.s32 s5, s0;
	[dreg:$0x1e] =	wrdreg s23  }
0x1e: {  	s5 =	simm.s32 $0x7880;
	s1 =	sadd.s32 s9, s1;
	[dreg:$0x1f] =	wrdreg s24  }
0x1f: {  	s15 =	sshrl.u32 s13, $0x1;
	s9 =	simm.s32 $0x80;
	[smem:$0x7FD] =	sst s26  }
0x20: {  	s14 =	simm.s32 $0x10880;
	s16 =	simm.s32 $0x11880;
	s18 =	simm.s32 $0x12880  }
0x21: {  	s19 =	simm.s32 $0x13080;
	s20 =	simm.s32 $0x13880;
	s21 =	simm.s32 $0x14080  }
0x22: {  	s23 =	simm.s32 $0x15080;
	s24 =	simm.s32 $0x15880;
	[dreg:$0x4] =	wrdreg s0  }
0x23: {  	s26 =	simm.s32 $0x16880;
	[dreg:$0x13] =	wrdreg s5;
	s17 =	ssub.s32 s13, s15  }
0x24: {  	s5 =	sadd.s32 $0x200, s2;
	s1 =	sadd.s32 s8, s1;
	s8 =	simm.s32 $0x2  }
0x25: {  	v2 =	vlaneseq.u32;
	s13 =	simm.s32 $0x10080;
	s15 =	simm.s32 $0x11080;
	s22 =	smax.u32 s17, $0x1  }
0x26: {  	vm0 =	vmmov $0xffff;
	v1 =	vshrl.u32 v2, $0x3;
	s25 =	sadd.s32 $0x1000, s1;
	s17 =	simm.s32 $0x12080;
	[smem:$0x7FB] =	sst s22  }
0x27: {  	v0 =	vand.u32 $0x7, v2;
	v2 =	vor.u32 $0x8, v2;
	v1 =	vmul.u32 $0x8, v1;
	[smem:$0x7FC] =	sst s25;
	s22 =	simm.s32 $0x14880;
	s25 =	simm.s32 $0x16080  }
.LBB2_1:
0x28: {  	s7 =	sld [smem:$0x7FC];
	s1 =	simm.s32 $0x0  }
.LBB2_2:
0x29: {  	s6 =	rddreg [dreg:$0x4]  }
0x2a: {  	s6 =	sadd.s32 s1, s6  }
0x2b: {  	[tilespmem:s3], [sflag:$0x2] =	stream.linear.gather [hbm4b:s6+s3], $0x80, $0x38;
	[tilespmem:$0x18080] =	vst v63  }
0x2c: {  	_ =	swait.ge [sflag:s8], $0x80  }
0x2d: {  	[sflag:s8] =	ssyncset.done $0x0  }
0x2e: {  	[sflag:s8] =	ssyncadd.s32 $0xFFFFFF80  }
0x2f: {  	v3 =	vld [tilespmem:$0x0];
	_ =	sdelay $0x4  }
0x30: {  	v4 =	vshrl.u32 v3, $0x3  }
0x31: {  	v4 =	vmul.u32 $0x30, v4  }
0x32: {  	v3 =	vand.u32 $0x7, v3  }
0x33: {  	v3 =	vor.u32 v3, v4  }
0x34: {  	v4 =	vperm.xlane v3, v0;
	_ =	sdelay $0x1  }
0x35: {  	v4 =	vadd.s32 v1, v4;
	_ =	sdelay $0x3  }
0x36: {  	v3 =	vperm.xlane v3, v2  }
0x37: {  	[tilespmem:s9], [sflag:$0x1] =	stream.indirect_vreg.gather [hbm4b:s2+s3], $0x80, v4, vm0, $0xb8;
	[tilespmem:$0x18080] =	vst v63  }
0x38: {  	s6 =	rddreg [dreg:$0x5];
	v3 =	vadd.s32 v1, v3  }
0x39: {  	[tilespmem:s6], [sflag:$0x1] =	stream.indirect_vreg.gather [hbm4b:s4+s3], $0x80, v4, vm0, $0xb8;
	[tilespmem:$0x18080] =	vst v63  }
0x3a: {  	s0 =	rddreg [dreg:$0x6]  }
0x3b: {  	[tilespmem:s0], [sflag:$0x1] =	stream.indirect_vreg.gather [hbm4b:s5+s3], $0x80, v4, vm0, $0xb8;
	[tilespmem:$0x18080] =	vst v63  }
0x3c: {  	s6 =	rddreg [dreg:$0x7]  }
0x3d: {  	[tilespmem:s6], [sflag:$0x1] =	stream.indirect_vreg.gather [hbm4b:s2+s3], $0x80, v3, vm0, $0xb8;
	[tilespmem:$0x18080] =	vst v63  }
0x3e: {  	s0 =	rddreg [dreg:$0x8]  }
0x3f: {  	[tilespmem:s0], [sflag:$0x1] =	stream.indirect_vreg.gather [hbm4b:s4+s3], $0x80, v3, vm0, $0xb8;
	[tilespmem:$0x18080] =	vst v63  }
0x40: {  	s6 =	rddreg [dreg:$0x9]  }
0x41: {  	[tilespmem:s6], [sflag:$0x1] =	stream.indirect_vreg.gather [hbm4b:s5+s3], $0x80, v3, vm0, $0xb8;
	[tilespmem:$0x18080] =	vst v63  }
0x42: {  	v3 =	vld [tilespmem:$0x10];
	_ =	sdelay $0x4  }
0x43: {  	v57 =	vshrl.u32 v3, $0x3  }
0x44: {  	v4 =	vmul.u32 $0x30, v57  }
0x45: {  	v3 =	vand.u32 $0x7, v3  }
0x46: {  	v3 =	vor.u32 v3, v4  }
0x47: {  	v4 =	vperm.xlane v3, v0;
	_ =	sdelay $0x1  }
0x48: {  	v4 =	vadd.s32 v1, v4;
	_ =	sdelay $0x3  }
0x49: {  	s0 =	rddreg [dreg:$0xa];
	v3 =	vperm.xlane v3, v2  }
0x4a: {  	[tilespmem:s0], [sflag:$0x1] =	stream.indirect_vreg.gather [hbm4b:s2+s3], $0x80, v4, vm0, $0xb8;
	[tilespmem:$0x18080] =	vst v63  }
0x4b: {  	s6 =	rddreg [dreg:$0xb];
	v3 =	vadd.s32 v1, v3  }
0x4c: {  	[tilespmem:s6], [sflag:$0x1] =	stream.indirect_vreg.gather [hbm4b:s4+s3], $0x80, v4, vm0, $0xb8;
	[tilespmem:$0x18080] =	vst v63  }
0x4d: {  	s0 =	rddreg [dreg:$0xc]  }
0x4e: {  	[tilespmem:s0], [sflag:$0x1] =	stream.indirect_vreg.gather [hbm4b:s5+s3], $0x80, v4, vm0, $0xb8;
	[tilespmem:$0x18080] =	vst v63  }
0x4f: {  	s6 =	rddreg [dreg:$0xd]  }
0x50: {  	[tilespmem:s6], [sflag:$0x1] =	stream.indirect_vreg.gather [hbm4b:s2+s3], $0x80, v3, vm0, $0xb8;
	[tilespmem:$0x18080] =	vst v63  }
0x51: {  	s0 =	rddreg [dreg:$0xe]  }
0x52: {  	[tilespmem:s0], [sflag:$0x1] =	stream.indirect_vreg.gather [hbm4b:s4+s3], $0x80, v3, vm0, $0xb8;
	[tilespmem:$0x18080] =	vst v63  }
0x53: {  	s6 =	rddreg [dreg:$0xf]  }
0x54: {  	[tilespmem:s6], [sflag:$0x1] =	stream.indirect_vreg.gather [hbm4b:s5+s3], $0x80, v3, vm0, $0xb8;
	[tilespmem:$0x18080] =	vst v63  }
0x55: {  	v3 =	vld [tilespmem:$0x20];
	_ =	sdelay $0x4  }
0x56: {  	v58 =	vshrl.u32 v3, $0x3  }
0x57: {  	v4 =	vmul.u32 $0x30, v58  }
0x58: {  	v3 =	vand.u32 $0x7, v3  }
0x59: {  	v3 =	vor.u32 v3, v4  }
0x5a: {  	v4 =	vperm.xlane v3, v0;
	_ =	sdelay $0x1  }
0x5b: {  	v4 =	vadd.s32 v1, v4;
	_ =	sdelay $0x3  }
0x5c: {  	s0 =	rddreg [dreg:$0x10];
	v3 =	vperm.xlane v3, v2  }
0x5d: {  	[tilespmem:s0], [sflag:$0x1] =	stream.indirect_vreg.gather [hbm4b:s2+s3], $0x80, v4, vm0, $0xb8;
	[tilespmem:$0x18080] =	vst v63  }
0x5e: {  	s6 =	rddreg [dreg:$0x11];
	v3 =	vadd.s32 v1, v3  }
0x5f: {  	[tilespmem:s6], [sflag:$0x1] =	stream.indirect_vreg.gather [hbm4b:s4+s3], $0x80, v4, vm0, $0xb8;
	[tilespmem:$0x18080] =	vst v63  }
0x60: {  	s0 =	rddreg [dreg:$0x12]  }
0x61: {  	[tilespmem:s0], [sflag:$0x1] =	stream.indirect_vreg.gather [hbm4b:s5+s3], $0x80, v4, vm0, $0xb8;
	[tilespmem:$0x18080] =	vst v63  }
0x62: {  	s6 =	rddreg [dreg:$0x13]  }
0x63: {  	[tilespmem:s6], [sflag:$0x1] =	stream.indirect_vreg.gather [hbm4b:s2+s3], $0x80, v3, vm0, $0xb8;
	[tilespmem:$0x18080] =	vst v63  }
0x64: {  	s0 =	rddreg [dreg:$0x14]  }
0x65: {  	[tilespmem:s0], [sflag:$0x1] =	stream.indirect_vreg.gather [hbm4b:s4+s3], $0x80, v3, vm0, $0xb8;
	[tilespmem:$0x18080] =	vst v63  }
0x66: {  	s6 =	rddreg [dreg:$0x15]  }
0x67: {  	[tilespmem:s6], [sflag:$0x1] =	stream.indirect_vreg.gather [hbm4b:s5+s3], $0x80, v3, vm0, $0xb8;
	[tilespmem:$0x18080] =	vst v63  }
0x68: {  	v3 =	vld [tilespmem:$0x30];
	_ =	sdelay $0x4  }
0x69: {  	v59 =	vshrl.u32 v3, $0x3  }
0x6a: {  	v4 =	vmul.u32 $0x30, v59  }
0x6b: {  	v3 =	vand.u32 $0x7, v3  }
0x6c: {  	v3 =	vor.u32 v3, v4  }
0x6d: {  	v4 =	vperm.xlane v3, v0;
	_ =	sdelay $0x1  }
0x6e: {  	v4 =	vadd.s32 v1, v4;
	_ =	sdelay $0x3  }
0x6f: {  	s0 =	rddreg [dreg:$0x16];
	v3 =	vperm.xlane v3, v2  }
0x70: {  	[tilespmem:s0], [sflag:$0x1] =	stream.indirect_vreg.gather [hbm4b:s2+s3], $0x80, v4, vm0, $0xb8;
	[tilespmem:$0x18080] =	vst v63  }
0x71: {  	s6 =	rddreg [dreg:$0x17];
	v3 =	vadd.s32 v1, v3  }
0x72: {  	[tilespmem:s6], [sflag:$0x1] =	stream.indirect_vreg.gather [hbm4b:s4+s3], $0x80, v4, vm0, $0xb8;
	[tilespmem:$0x18080] =	vst v63  }
0x73: {  	s0 =	rddreg [dreg:$0x18]  }
0x74: {  	[tilespmem:s0], [sflag:$0x1] =	stream.indirect_vreg.gather [hbm4b:s5+s3], $0x80, v4, vm0, $0xb8;
	[tilespmem:$0x18080] =	vst v63  }
0x75: {  	s6 =	rddreg [dreg:$0x19]  }
0x76: {  	[tilespmem:s6], [sflag:$0x1] =	stream.indirect_vreg.gather [hbm4b:s2+s3], $0x80, v3, vm0, $0xb8;
	[tilespmem:$0x18080] =	vst v63  }
0x77: {  	s0 =	rddreg [dreg:$0x1a]  }
0x78: {  	[tilespmem:s0], [sflag:$0x1] =	stream.indirect_vreg.gather [hbm4b:s4+s3], $0x80, v3, vm0, $0xb8;
	[tilespmem:$0x18080] =	vst v63  }
0x79: {  	s6 =	rddreg [dreg:$0x1b]  }
0x7a: {  	[tilespmem:s6], [sflag:$0x1] =	stream.indirect_vreg.gather [hbm4b:s5+s3], $0x80, v3, vm0, $0xb8;
	[tilespmem:$0x18080] =	vst v63  }
0x7b: {  	v3 =	vld [tilespmem:$0x40];
	_ =	sdelay $0x4  }
0x7c: {  	v60 =	vshrl.u32 v3, $0x3  }
0x7d: {  	v4 =	vmul.u32 $0x30, v60  }
0x7e: {  	v3 =	vand.u32 $0x7, v3  }
0x7f: {  	v3 =	vor.u32 v3, v4  }
0x80: {  	v4 =	vperm.xlane v3, v0;
	_ =	sdelay $0x1  }
0x81: {  	v4 =	vadd.s32 v1, v4;
	_ =	sdelay $0x2  }
0x82: {  	s0 =	rddreg [dreg:$0x1c]  }
0x83: {  	s6 =	rddreg [dreg:$0x1d];
	v3 =	vperm.xlane v3, v2  }
0x84: {  	[tilespmem:s0], [sflag:$0x1] =	stream.indirect_vreg.gather [hbm4b:s2+s3], $0x80, v4, vm0, $0xb8;
	[tilespmem:$0x18080] =	vst v63  }
0x85: {  	v3 =	vadd.s32 v1, v3;
	s0 =	rddreg [dreg:$0x1e]  }
0x86: {  	[tilespmem:s6], [sflag:$0x1] =	stream.indirect_vreg.gather [hbm4b:s4+s3], $0x80, v4, vm0, $0xb8;
	[tilespmem:$0x18080] =	vst v63  }
0x87: {  	s6 =	rddreg [dreg:$0x1f]  }
0x88: {  	[tilespmem:s0], [sflag:$0x1] =	stream.indirect_vreg.gather [hbm4b:s5+s3], $0x80, v4, vm0, $0xb8;
	[tilespmem:$0x18080] =	vst v63  }
0x89: {  	s0 =	sld [smem:$0x7FD]  }
0x8a: {  	[tilespmem:s6], [sflag:$0x1] =	stream.indirect_vreg.gather [hbm4b:s2+s3], $0x80, v3, vm0, $0xb8;
	[tilespmem:$0x18080] =	vst v63  }
0x8b: {  	_ = 	snop  }
0x8c: {  	[tilespmem:s0], [sflag:$0x1] =	stream.indirect_vreg.gather [hbm4b:s4+s3], $0x80, v3, vm0, $0xb8;
	[tilespmem:$0x18080] =	vst v63  }
0x8d: {  	_ = 	snop  }
0x8e: {  	[tilespmem:s10], [sflag:$0x1] =	stream.indirect_vreg.gather [hbm4b:s5+s3], $0x80, v3, vm0, $0xb8;
	[tilespmem:$0x18080] =	vst v63  }
0x8f: {  	v3 =	vld [tilespmem:$0x50];
	_ =	sdelay $0x4  }
0x90: {  	v61 =	vshrl.u32 v3, $0x3  }
0x91: {  	v4 =	vmul.u32 $0x30, v61  }
0x92: {  	v3 =	vand.u32 $0x7, v3  }
0x93: {  	v3 =	vor.u32 v3, v4  }
0x94: {  	v4 =	vperm.xlane v3, v0;
	_ =	sdelay $0x1  }
0x95: {  	v4 =	vadd.s32 v1, v4;
	_ =	sdelay $0x3  }
0x96: {  	v3 =	vperm.xlane v3, v2  }
0x97: {  	[tilespmem:s11], [sflag:$0x1] =	stream.indirect_vreg.gather [hbm4b:s2+s3], $0x80, v4, vm0, $0xb8;
	[tilespmem:$0x18080] =	vst v63  }
0x98: {  	v3 =	vadd.s32 v1, v3  }
0x99: {  	[tilespmem:s12], [sflag:$0x1] =	stream.indirect_vreg.gather [hbm4b:s4+s3], $0x80, v4, vm0, $0xb8;
	[tilespmem:$0x18080] =	vst v63  }
0x9a: {  	_ = 	snop  }
0x9b: {  	[tilespmem:s13], [sflag:$0x1] =	stream.indirect_vreg.gather [hbm4b:s5+s3], $0x80, v4, vm0, $0xb8;
	[tilespmem:$0x18080] =	vst v63  }
0x9c: {  	_ = 	snop  }
0x9d: {  	[tilespmem:s14], [sflag:$0x1] =	stream.indirect_vreg.gather [hbm4b:s2+s3], $0x80, v3, vm0, $0xb8;
	[tilespmem:$0x18080] =	vst v63  }
0x9e: {  	_ = 	snop  }
0x9f: {  	[tilespmem:s15], [sflag:$0x1] =	stream.indirect_vreg.gather [hbm4b:s4+s3], $0x80, v3, vm0, $0xb8;
	[tilespmem:$0x18080] =	vst v63  }
0xa0: {  	_ = 	snop  }
0xa1: {  	[tilespmem:s16], [sflag:$0x1] =	stream.indirect_vreg.gather [hbm4b:s5+s3], $0x80, v3, vm0, $0xb8;
	[tilespmem:$0x18080] =	vst v63  }
0xa2: {  	v3 =	vld [tilespmem:$0x60];
	_ =	sdelay $0x4  }
0xa3: {  	v62 =	vshrl.u32 v3, $0x3  }
0xa4: {  	v4 =	vmul.u32 $0x30, v62  }
0xa5: {  	v3 =	vand.u32 $0x7, v3  }
0xa6: {  	v3 =	vor.u32 v3, v4  }
0xa7: {  	v4 =	vperm.xlane v3, v0;
	_ =	sdelay $0x1  }
0xa8: {  	v4 =	vadd.s32 v1, v4;
	_ =	sdelay $0x3  }
0xa9: {  	v3 =	vperm.xlane v3, v2  }
0xaa: {  	[tilespmem:s17], [sflag:$0x1] =	stream.indirect_vreg.gather [hbm4b:s2+s3], $0x80, v4, vm0, $0xb8;
	[tilespmem:$0x18080] =	vst v63  }
0xab: {  	v3 =	vadd.s32 v1, v3  }
0xac: {  	[tilespmem:s18], [sflag:$0x1] =	stream.indirect_vreg.gather [hbm4b:s4+s3], $0x80, v4, vm0, $0xb8;
	[tilespmem:$0x18080] =	vst v63  }
0xad: {  	_ = 	snop  }
0xae: {  	[tilespmem:s19], [sflag:$0x1] =	stream.indirect_vreg.gather [hbm4b:s5+s3], $0x80, v4, vm0, $0xb8;
	[tilespmem:$0x18080] =	vst v63  }
0xaf: {  	_ = 	snop  }
0xb0: {  	[tilespmem:s20], [sflag:$0x1] =	stream.indirect_vreg.gather [hbm4b:s2+s3], $0x80, v3, vm0, $0xb8;
	[tilespmem:$0x18080] =	vst v63  }
0xb1: {  	_ = 	snop  }
0xb2: {  	[tilespmem:s21], [sflag:$0x1] =	stream.indirect_vreg.gather [hbm4b:s4+s3], $0x80, v3, vm0, $0xb8;
	[tilespmem:$0x18080] =	vst v63  }
0xb3: {  	_ = 	snop  }
0xb4: {  	[tilespmem:s22], [sflag:$0x1] =	stream.indirect_vreg.gather [hbm4b:s5+s3], $0x80, v3, vm0, $0xb8;
	[tilespmem:$0x18080] =	vst v63  }
0xb5: {  	v3 =	vld [tilespmem:$0x70];
	_ =	sdelay $0x4  }
0xb6: {  	v63 =	vshrl.u32 v3, $0x3  }
0xb7: {  	v4 =	vmul.u32 $0x30, v63  }
0xb8: {  	v3 =	vand.u32 $0x7, v3  }
0xb9: {  	v3 =	vor.u32 v3, v4  }
0xba: {  	v4 =	vperm.xlane v3, v0;
	_ =	sdelay $0x1  }
0xbb: {  	v4 =	vadd.s32 v1, v4;
	_ =	sdelay $0x3  }
0xbc: {  	v3 =	vperm.xlane v3, v2  }
0xbd: {  	[tilespmem:s23], [sflag:$0x1] =	stream.indirect_vreg.gather [hbm4b:s2+s3], $0x80, v4, vm0, $0xb8;
	[tilespmem:$0x18080] =	vst v63  }
0xbe: {  	v3 =	vadd.s32 v1, v3  }
0xbf: {  	[tilespmem:s24], [sflag:$0x1] =	stream.indirect_vreg.gather [hbm4b:s4+s3], $0x80, v4, vm0, $0xb8;
	[tilespmem:$0x18080] =	vst v63  }
0xc0: {  	_ = 	snop  }
0xc1: {  	[tilespmem:s25], [sflag:$0x1] =	stream.indirect_vreg.gather [hbm4b:s5+s3], $0x80, v4, vm0, $0xb8;
	[tilespmem:$0x18080] =	vst v63  }
0xc2: {  	_ = 	snop  }
0xc3: {  	[tilespmem:s26], [sflag:$0x1] =	stream.indirect_vreg.gather [hbm4b:s2+s3], $0x80, v3, vm0, $0xb8;
	[tilespmem:$0x18080] =	vst v63  }
0xc4: {  	_ = 	snop  }
0xc5: {  	[tilespmem:s28], [sflag:$0x1] =	stream.indirect_vreg.gather [hbm4b:s4+s3], $0x80, v3, vm0, $0xb8;
	[tilespmem:$0x18080] =	vst v63  }
0xc6: {  	_ = 	snop  }
0xc7: {  	[tilespmem:s29], [sflag:$0x1] =	stream.indirect_vreg.gather [hbm4b:s5+s3], $0x80, v3, vm0, $0xb8;
	[tilespmem:$0x18080] =	vst v63  }
0xc8: {  	_ =	swait.ge [sflag:s30], $0x18000  }
0xc9: {  	p0 =	sne.s32 s1, $0x1F0;
	[sflag:s30] =	ssyncset.done $0x0  }
.Ltmp0:
0xca: {  	[sflag:s30] =	ssyncadd.s32 $0xFFFE8000;
	(pc) =	sbr.rel @p0 .LBB2_2-.Ltmp0, $4  }
0xcb: {  	[hbm4b:s7+s3] =	stream.linear.scatter [tilespmem:s9], [sflag:$0x2], $0x18000, $0x38;
	[tilespmem:$0x18080] =	vst v63  }
0xcc: {  	_ =	swait.ge [sflag:s8], $0x18000  }
0xcd: {  	[sflag:s8] =	ssyncset.done $0x0  }
0xce: {  	s1 =	sadd.s32 $0x10, s1;
	s7 =	sadd.s32 $0x3000, s7;
	[sflag:s8] =	ssyncadd.s32 $0xFFFE8000  }
0xcf: {  	s0 =	sld [smem:$0x7FB];
	_ =	sdelay $0x1  }
0xd0: {  	s31 =	sadd.s32 $0x1, s31  }
0xd1: {  	p0 =	sne.s32 s31, s0  }
.Ltmp1:
0xd2: {  	_ = 	snop;
	(pc) =	sbr.rel @p0 .LBB2_1-.Ltmp1, $1  }
0xd3: {  	_ =	sdelay $0x3  }
0xd4: {  	_ =	sfence.sel $0x180000  }
0xd5: {  	[bflag:$0x0] =	sbarrier.arrive $0xFFFF  }
0xd6: {  	_ =	strace $0x90000047  }
0xd7: {  	s0 =	stileid.u32;
	[bflag:$0x2] =	sbarrier.arrive $0xFFFF  }
0xd8: {  	p0 =	sne.s32 s0, $0x0;
	s0 =	rddreg [dreg:$0x3]  }
0xd9: {  	s0 =	sadd.s32 @!p0 $0x100000, s0  }
0xda: {  	[sflag:s0] =	ssyncadd.tile.s32 @!p0 $0x1;
	_ =	shalt  }
.Lfunc_end2:
_tile_overlayer_lowered:
.L_overlay_start_2:
0xdb: {  	(tag) =	ssettag $0x2  }
0xdc: {  	s0 =	rddreg [dreg:$0x0];
	s2 =	stileid.u32  }
0xdd: {  	s1 =	rddreg [dreg:$0x1];
	p0 =	sne.s32 s2, $0x0  }
0xde: {  	s3 =	rddreg [dreg:$0x2];
	[bflag:$0x3] =	sbarrier.arrive $0xFFFF;
	s2 =	simm.s32 @!p0 $0x1C02  }
0xdf: {  	[timem:s3], [sflag:s2] =	dma.local @!p0 [hbm:s0], s1  }
0xe0: {  	s0 =	simm.s32 @!p0 $0x2  }
0xe1: {  	_ =	swait.ge @!p0 [sflag:s0], s1  }
0xe2: {  	s1 =	ssub.s32 @!p0 $0x0, s1;
	[sflag:s0] =	ssyncset.done @!p0 $0x0  }
0xe3: {  	[sflag:s0] =	ssyncadd.s32 @!p0 s1  }
0xe4: {  	[bflag:$0x3] =	sbarrier.arrive $0xFFFF  }
0xe5: {  	_ =	shalt  }

</sc_bundles>
